<compile_context>
chip_gen: v7x
topology: tpu7x:2x2x1
jax: 0.10.2.dev20260603
libtpu: 0.0.44.dev20260713+nightly
codegen_flags: <defaults>
</compile_context>

<pallas_src>
import functools

import jax
import jax.numpy as jnp
from jax.experimental import pallas as pl
from jax.experimental.pallas import tpu as pltpu


def _vq_body(z_ref, cbn_ref, cb_ref, csq_ref, q_ref, loss_ref, *, n_groups):
    n = pl.program_id(0)
    g = pl.program_id(1)
    t = pl.program_id(2)

    z = z_ref[0]
    cbn = cbn_ref[0]
    cb = cb_ref[0]
    csq = csq_ref[0]

    mm = jax.lax.dot_general(cbn, z, (((1,), (0,)), ((), ())),
                             preferred_element_type=jnp.float32)
    dist = mm + csq

    idx = jnp.argmin(dist, axis=0)
    onehot = (jax.lax.broadcasted_iota(jnp.int32, dist.shape, 0)
              == idx[None, :]).astype(jnp.float32)
    q = jax.lax.dot_general(cb, onehot, (((0,), (0,)), ((), ())),
                            preferred_element_type=jnp.float32)
    q_ref[0] = q

    @pl.when((n == 0) & (g == 0) & (t == 0))
    def _init():
        loss_ref[0, 0] = 0.0

    @pl.when(g == n_groups - 1)
    def _acc():
        r = z - q
        loss_ref[0, 0] += jnp.sum(r * r)


def kernel(z, codebooks):
    N, C, T0 = z.shape
    G, CB, K = codebooks.shape
    T = (C * T0) // (G * K)
    zr = jnp.reshape(z, (N, G * K, T))

    cb_neg2 = -2.0 * codebooks
    csq = jnp.sum(codebooks * codebooks, axis=2, keepdims=True)

    TB = 4096 if T % 4096 == 0 else T

    q, loss_sum = pl.pallas_call(
        functools.partial(_vq_body, n_groups=G),
        grid=(N, G, T // TB),
        in_specs=[
            pl.BlockSpec((1, K, TB), lambda n, g, t: (n, g, t)),
            pl.BlockSpec((1, CB, K), lambda n, g, t: (g, 0, 0)),
            pl.BlockSpec((1, CB, K), lambda n, g, t: (g, 0, 0)),
            pl.BlockSpec((1, CB, 1), lambda n, g, t: (g, 0, 0)),
        ],
        out_specs=[
            pl.BlockSpec((1, K, TB), lambda n, g, t: (n, g, t)),
            pl.BlockSpec(memory_space=pltpu.SMEM),
        ],
        out_shape=[
            jax.ShapeDtypeStruct((N, G * K, T), jnp.float32),
            jax.ShapeDtypeStruct((1, 1), jnp.float32),
        ],
    )(zr, cb_neg2, codebooks, csq)

    vq_loss = loss_sum[0, 0] * (0.25 / (N * K * T))
    return jnp.reshape(q, (N, C, T0)), vq_loss

# --- scband reference (transcript-rebuilt; emitter-appended) ---
"""Pipeline reference for scband-group-quantization-90718299226528 (READ-ONLY COPY).

The authoritative reference and input builder live on the scoring server;
editing this copy changes nothing except your own understanding.
"""

import jax, jax.numpy as jnp
import numpy as np

G = 3
K = 40
CB = 1024
COMMIT = 0.25


def setup_inputs(seed: int = 0) -> dict:
    key = jax.random.key(seed)
    k1, k2 = jax.random.split(key)
    z = jax.random.normal(k1, (32, 30, 16384), dtype=jnp.float32)
    codebooks = jax.random.normal(k2, (G, CB, K), dtype=jnp.float32)
    return {"z": z, "codebooks": codebooks}


def _ema_quantize(zg, codebook):
    # zg: (N, K, T); codebook: (CB, K)
    N, Kd, T = zg.shape
    zf = jnp.transpose(zg, (0, 2, 1)).reshape(-1, Kd)  # (N*T, K)
    dist = (jnp.sum(zf * zf, axis=1, keepdims=True)
            - 2.0 * (zf @ codebook.T)
            + jnp.sum(codebook * codebook, axis=1)[None, :])
    idx = jnp.argmin(dist, axis=1)
    qf = jnp.take(codebook, idx, axis=0)
    q = jnp.transpose(qf.reshape(N, T, Kd), (0, 2, 1))
    commit_loss = COMMIT * jnp.mean((zg - jax.lax.stop_gradient(q)) ** 2)
    q_st = zg + jax.lax.stop_gradient(q - zg)  # straight-through
    counts = jnp.bincount(idx, length=CB).astype(jnp.float32)
    probs = counts / idx.shape[0]
    ppl = jnp.exp(-jnp.sum(probs * jnp.log(probs + 1e-10)))
    return q_st, commit_loss, idx, ppl


def reference(z, codebooks):
    # z: (N, C_, T) with C_*4 == K*G
    N = z.shape[0]
    zr = jnp.reshape(z, (N, z.shape[1] * 4, -1))
    assert zr.shape[1] == K * G
    q_merge = []
    vq_loss = jnp.float32(0.0)
    for i in range(G):
        q_i, vq_loss, _, ppl = _ema_quantize(zr[:, K * i:K * (i + 1), :], codebooks[i])
        q_merge.append(q_i)
    q = jnp.concatenate(q_merge, axis=1)
    q = jnp.reshape(q, (N, zr.shape[1] // 4, -1))
    return (q, vq_loss)

if __name__ == "__main__":
    import jax
    _d = setup_inputs()
    print(jax.jit(kernel)(*tuple(_d.values())))

</pallas_src>

<mosaic_0001>
module attributes {stable_mosaic.version = 14 : i64} {
  func.func @_vq_body(%arg0: i32, %arg1: i32, %arg2: i32, %arg3: memref<1x40x4096xf32, #tpu.memory_space<vmem>>, %arg4: memref<1x1024x40xf32, #tpu.memory_space<vmem>>, %arg5: memref<1x1024x40xf32, #tpu.memory_space<vmem>>, %arg6: memref<1x1024x1xf32, #tpu.memory_space<vmem>>, %arg7: memref<1x40x4096xf32, #tpu.memory_space<vmem>>, %arg8: memref<1x1xf32, #tpu.memory_space<smem>>) attributes {dimension_semantics = [#tpu.dimension_semantics<arbitrary>, #tpu.dimension_semantics<arbitrary>, #tpu.dimension_semantics<arbitrary>], iteration_bounds = array<i64: 32, 3, 1>, scalar_prefetch = 0 : i64, scratch_operands = 0 : i64, tpu.core_type = #tpu.core_type<tc>, window_params = [{transform_indices = @transform_0, window_bounds = array<i64: 1, 40, 4096>}, {transform_indices = @transform_1, window_bounds = array<i64: 1, 1024, 40>}, {transform_indices = @transform_2, window_bounds = array<i64: 1, 1024, 40>}, {transform_indices = @transform_3, window_bounds = array<i64: 1, 1024, 1>}, {transform_indices = @transform_4, window_bounds = array<i64: 1, 40, 4096>}, {transform_indices = @transform_5, window_bounds = array<i64: 1, 1>}]} {
    %get3A = arith.constant 0 : index
    %get3A_0 = arith.constant 0 : index
    %get3A_1 = arith.constant 0 : index
    %get3A_2 = vector.load %arg3[%get3A, %get3A_0, %get3A_1] : memref<1x40x4096xf32, #tpu.memory_space<vmem>>, vector<1x40x4096xf32>
    %get3A_3 = vector.shape_cast %get3A_2 : vector<1x40x4096xf32> to vector<40x4096xf32>
    %get3A_4 = arith.constant 0 : index
    %get3A_5 = arith.constant 0 : index
    %get3A_6 = arith.constant 0 : index
    %get3A_7 = vector.load %arg4[%get3A_4, %get3A_5, %get3A_6] : memref<1x1024x40xf32, #tpu.memory_space<vmem>>, vector<1x1024x40xf32>
    %get3A_8 = vector.shape_cast %get3A_7 : vector<1x1024x40xf32> to vector<1024x40xf32>
    %get3A_9 = arith.constant 0 : index
    %get3A_10 = arith.constant 0 : index
    %get3A_11 = arith.constant 0 : index
    %get3A_12 = vector.load %arg5[%get3A_9, %get3A_10, %get3A_11] : memref<1x1024x40xf32, #tpu.memory_space<vmem>>, vector<1x1024x40xf32>
    %get3A_13 = vector.shape_cast %get3A_12 : vector<1x1024x40xf32> to vector<1024x40xf32>
    %get3A_14 = arith.constant 0 : index
    %get3A_15 = arith.constant 0 : index
    %get3A_16 = arith.constant 0 : index
    %get3A_17 = vector.load %arg6[%get3A_14, %get3A_15, %get3A_16] : memref<1x1024x1xf32, #tpu.memory_space<vmem>>, vector<1x1024x1xf32>
    %get3A_18 = vector.shape_cast %get3A_17 : vector<1x1024x1xf32> to vector<1024x1xf32>
    %dot_general3A = arith.constant dense<0.000000e+00> : vector<1024x4096xf32>
    %dot_general3A_19 = tpu.matmul %get3A_8, %get3A_3, %dot_general3A {dimension_numbers = #tpu.dot_dimension_numbers<[1], [0], [0], [1], [0, 0, 1, 1], [], []>, transpose_lhs_hint = false} : vector<1024x40xf32>, vector<40x4096xf32>, vector<1024x4096xf32> -> vector<1024x4096xf32>
    %add3A = vector.broadcast %get3A_18 : vector<1024x1xf32> to vector<1024x4096xf32>
    %add3A_20 = arith.addf %dot_general3A_19, %add3A : vector<1024x4096xf32>
    %argmin3A = tpu.reduce_index %add3A_20 {axis = 0 : i32, kind = #tpu.reduction_kind<arg_min>} : vector<1024x4096xf32> -> vector<4096xi32>
    %iota3A = tpu.iota {dimensions = array<i32: 0>} : vector<1024x4096xi32>
    %broadcast_in_dim3A = vector.shape_cast %argmin3A : vector<4096xi32> to vector<1x4096xi32>
    %eq3A = vector.broadcast %broadcast_in_dim3A : vector<1x4096xi32> to vector<1024x4096xi32>
    %eq3A_21 = arith.cmpi eq, %iota3A, %eq3A : vector<1024x4096xi32>
    %convert_element_type3A = arith.extui %eq3A_21 : vector<1024x4096xi1> to vector<1024x4096xi32>
    %convert_element_type3A_22 = arith.sitofp %convert_element_type3A : vector<1024x4096xi32> to vector<1024x4096xf32>
    %dot_general3A_23 = arith.constant dense<0.000000e+00> : vector<40x4096xf32>
    %dot_general3A_24 = tpu.matmul %get3A_13, %convert_element_type3A_22, %dot_general3A_23 {dimension_numbers = #tpu.dot_dimension_numbers<[0], [0], [1], [1], [0, 1, 1, 1], [], []>, transpose_lhs_hint = false} : vector<1024x40xf32>, vector<1024x4096xf32>, vector<40x4096xf32> -> vector<40x4096xf32>
    %swap3A = arith.constant 0 : index
    %swap3A_25 = arith.constant 0 : index
    %swap3A_26 = arith.constant 0 : index
    %swap3A_27 = vector.load %arg7[%swap3A, %swap3A_25, %swap3A_26] : memref<1x40x4096xf32, #tpu.memory_space<vmem>>, vector<1x40x4096xf32>
    %swap3A_28 = vector.shape_cast %swap3A_27 : vector<1x40x4096xf32> to vector<40x4096xf32>
    %swap3A_29 = vector.shape_cast %dot_general3A_24 : vector<40x4096xf32> to vector<1x40x4096xf32>
    tpu.vector_store %arg7[%swap3A, %swap3A_25, %swap3A_26], %swap3A_29 {strides = array<i32>} : memref<1x40x4096xf32, #tpu.memory_space<vmem>>, vector<1x40x4096xf32>,
    %eq3A_30 = arith.constant 0 : i32
    %eq3A_31 = arith.cmpi eq, %arg0, %eq3A_30 : i32
    %eq3A_32 = arith.constant 0 : i32
    %eq3A_33 = arith.cmpi eq, %arg1, %eq3A_32 : i32
    %and3A = arith.andi %eq3A_31, %eq3A_33 : i1
    %eq3A_34 = arith.constant 0 : i32
    %eq3A_35 = arith.cmpi eq, %arg2, %eq3A_34 : i32
    %and3A_36 = arith.andi %and3A, %eq3A_35 : i1
    %convert_element_type3A_37 = arith.extui %and3A_36 : i1 to i32
    %cond3A = arith.constant 0 : i32
    %cond3A_38 = arith.cmpi ne, %convert_element_type3A_37, %cond3A : i32
    scf.if %cond3A_38 {
      %swap3A_44 = arith.constant 0.000000e+00 : f32
      %swap3A_45 = arith.constant 0 : index
      %swap3A_46 = arith.constant 0 : index
      %swap3A_47 = memref.load %arg8[%swap3A_45, %swap3A_46] : memref<1x1xf32, #tpu.memory_space<smem>>
      memref.store %swap3A_44, %arg8[%swap3A_45, %swap3A_46] : memref<1x1xf32, #tpu.memory_space<smem>>
    } else {
    }
    %eq3A_39 = arith.constant 2 : i32
    %eq3A_40 = arith.cmpi eq, %arg1, %eq3A_39 : i32
    %convert_element_type3A_41 = arith.extui %eq3A_40 : i1 to i32
    %cond3A_42 = arith.constant 0 : i32
    %cond3A_43 = arith.cmpi ne, %convert_element_type3A_41, %cond3A_42 : i32
    scf.if %cond3A_43 {
      %sub3A = arith.subf %get3A_3, %dot_general3A_24 : vector<40x4096xf32>
      %get3A_44 = arith.constant 0 : index
      %get3A_45 = arith.constant 0 : index
      %get3A_46 = memref.load %arg8[%get3A_44, %get3A_45] : memref<1x1xf32, #tpu.memory_space<smem>>
      %mul3A = arith.mulf %sub3A, %sub3A : vector<40x4096xf32>
      %reduce_sum3A = vector.shape_cast %mul3A : vector<40x4096xf32> to vector<1x40x4096xf32>
      %reduce_sum3A_47 = arith.constant dense<0.000000e+00> : vector<1xf32>
      %reduce_sum3A_48 = vector.multi_reduction <add>, %reduce_sum3A, %reduce_sum3A_47 [1, 2] : vector<1x40x4096xf32> to vector<1xf32>
      %reduce_sum3A_49 = vector.shape_cast %reduce_sum3A_48 : vector<1xf32> to vector<1x1x1xf32>
      %reduce_sum3A_50 = vector.extract %reduce_sum3A_49[0, 0, 0] : f32 from vector<1x1x1xf32>
      %add3A_51 = arith.addf %get3A_46, %reduce_sum3A_50 : f32
      %swap3A_52 = arith.constant 0 : index
      %swap3A_53 = arith.constant 0 : index
      %swap3A_54 = memref.load %arg8[%swap3A_52, %swap3A_53] : memref<1x1xf32, #tpu.memory_space<smem>>
      memref.store %add3A_51, %arg8[%swap3A_52, %swap3A_53] : memref<1x1xf32, #tpu.memory_space<smem>>
    } else {
    }
    return
  }
  func.func @transform_0(%arg0: i32, %arg1: i32, %arg2: i32) -> (i32, i32, i32) {
    %c0_i32 = arith.constant 0 : i32
    return %arg0, %arg1, %arg2 : i32, i32, i32
  }
  func.func @transform_1(%arg0: i32, %arg1: i32, %arg2: i32) -> (i32, i32, i32) {
    %c0_i32 = arith.constant 0 : i32
    %c0_i32_0 = arith.constant 0 : i32
    %c0_i32_1 = arith.constant 0 : i32
    return %arg1, %c0_i32, %c0_i32_0 : i32, i32, i32
  }
  func.func @transform_2(%arg0: i32, %arg1: i32, %arg2: i32) -> (i32, i32, i32) {
    %c0_i32 = arith.constant 0 : i32
    %c0_i32_0 = arith.constant 0 : i32
    %c0_i32_1 = arith.constant 0 : i32
    return %arg1, %c0_i32, %c0_i32_0 : i32, i32, i32
  }
  func.func @transform_3(%arg0: i32, %arg1: i32, %arg2: i32) -> (i32, i32, i32) {
    %c0_i32 = arith.constant 0 : i32
    %c0_i32_0 = arith.constant 0 : i32
    %c0_i32_1 = arith.constant 0 : i32
    return %arg1, %c0_i32, %c0_i32_0 : i32, i32, i32
  }
  func.func @transform_4(%arg0: i32, %arg1: i32, %arg2: i32) -> (i32, i32, i32) {
    %c0_i32 = arith.constant 0 : i32
    return %arg0, %arg1, %arg2 : i32, i32, i32
  }
  func.func @transform_5(%arg0: i32, %arg1: i32, %arg2: i32) -> (i32, i32) {
    %c0_i32 = arith.constant 0 : i32
    %c0_i32_0 = arith.constant 0 : i32
    %c0_i32_1 = arith.constant 0 : i32
    return %c0_i32, %c0_i32_0 : i32, i32
  }
}

</mosaic_0001>

<sc_bundles>
// kernel: sparse-core-data-format-call.cloned.1.call-start
scs
called_computation_lowered:
.L_overlay_start_0:
0x0: {  	s2 =	sld [smem:$0x3FD9]  }
0x1: {  	s3 =	sld [smem:$0x3FFE];
	_ =	sdelay $0x1  }
0x2: {  	s1 =	srdreg.scid  }
0x3: {  	s0 =	sand.u32 $0x1, s1  }
0x4: {  	s15 =	sshll.u32 s0, $0xA;
	s2 =	sadd.s32 s3, s2  }
0x5: {  	s2 =	sadd.s32 s2, s15  }
0x6: {  	[smem:$0x3FC6] =	sst s2  }
0x7: {  	_ = 	snop  }
0x8: {  	s2 =	sld [smem:$0x3FD0];
	_ =	sdelay $0x2  }
0x9: {  	s16 =	simm.s32 $0xA;
	s4 =	simm.s32 $0x10  }
0xa: {  	[smem:s4], [sflag:s16] =	dma.local [hbm:s2], $0x1  }
0xb: {  	_ =	swait.eq [sflag:s16], $0x1  }
0xc: {  	[sflag:s16] =	ssyncset.done $0x0  }
0xd: {  	[sflag:s16] =	ssyncadd.s32 $0xFFFFFFFF  }
0xe: {  	s17 =	sld [smem:$0x10];
	(tm) =	ssettm $0x1  }
0xf: {  	s18 =	sld [smem:$0x3FFB];
	_ =	sdelay $0x3  }
0x10: {  	_ =	strace s18  }
0x11: {  	s3 =	sld [smem:$0x3FFC];
	_ =	sdelay $0x3  }
0x12: {  	_ =	strace s3  }
0x13: {  	s3 =	sld [smem:$0x3FFD];
	_ =	sdelay $0x3  }
0x14: {  	_ =	strace s3  }
0x15: {  	_ =	strace $0x8FFFFFFF  }
0x16: {  	s19 =	sld [smem:$0x3FDB];
	_ =	sdelay $0x1  }
0x17: {  	s20 =	simm.s32 $_scs_section_size  }
0x18: {  	s5 =	simm.s32 $_size__tile_overlayer_lowered;
	s6 =	simm.s32 $_tile_overlayer_lowered  }
0x19: {  	s23 =	simm.s32 $0x1BFF;
	s22 =	sshll.u32 s6, $0x1;
	s3 =	sadd.s32 s20, s19  }
0x1a: {  	s7 =	simm.s32 $0x0;
	s21 =	sshll.u32 s5, $0x1;
	s5 =	sadd.s32 s22, s3  }
0x1b: {  	[timem:s7], [sflag:s23] =	dma.local [hbm:s5], s21  }
0x1c: {  	_ =	swait.ge [sflag:s23], s21  }
0x1d: {  	s4 =	ssub.s32 $0x0, s21;
	[sflag:s23] =	ssyncset.done $0x0  }
0x1e: {  	[sflag:s23] =	ssyncadd.s32 s4;
	_ =	sdelay $0x1  }
0x1f: {  	s24 =	simm.s32 $0x1B8B  }
0x20: {  	_ =	swait.ge [sflag:s24], $0x1  }
0x21: {  	[sflag:s24] =	ssyncset.done $0x0  }
0x22: {  	s26 =	simm.s32 $0x1B8E;
	s25 =	sld [smem:$0x3FFE];
	[sflag:s24] =	ssyncadd.s32 $0xFFFFFFFF  }
0x23: {  	s27 =	simm.s32 $execute0_lowered;
	[smem:$0x3FD2] =	sst s26  }
0x24: {  	s5 =	sshll.u32 s27, $0x1;
	_ =	strace $0x80000046;
	[dreg:$0x1] =	wrdreg $0xFFFFFFFF  }
0x25: {  	s28 =	simm.s32 $_size_execute0_lowered;
	s3 =	sadd.s32 s3, s5;
	[dreg:$0x0] =	wrdreg $0x0  }
0x26: {  	s5 =	sshll.u32 s28, $0x1;
	[dreg:$0x2] =	wrdreg s3  }
0x27: {  	[dreg:$0x3] =	wrdreg s5  }
0x28: {  	[dreg:$0x4] =	wrdreg $0xC0  }
0x29: {  	_ =	task [dreg:s7], $0x5FFFF  }
0x2a: {  	[dreg:$0x1] =	wrdreg $0xFFFFFFFF  }
0x2b: {  	[dreg:$0x0] =	wrdreg $0x60  }
0x2c: {  	[dreg:$0x2] =	wrdreg s25  }
0x2d: {  	[dreg:$0x3] =	wrdreg s17  }
0x2e: {  	[dreg:$0x4] =	wrdreg $0x9  }
0x2f: {  	_ =	task.clear_ibuf [dreg:s7], $0x5FFFF;
	_ =	strace $0x90000046  }
0x30: {  	s29 =	simm.s32 $0x9;
	_ =	strace $0x80000048  }
0x31: {  	_ =	swait.ge [sflag:s29], $0x1  }
0x32: {  	[sflag:s29] =	ssyncadd.s32 $0xFFFFFFFF  }
0x33: {  	_ =	strace $0x90000048  }
0x34: {  	_ =	sfence  }
0x35: {  	s30 =	sld [smem:$0x0];
	_ =	sdelay $0x2  }
0x36: {  	s31 =	sshll.u32 s1, $0xD;
	s1 =	sshrl.u32 s1, $0x2  }
0x37: {  	s3 =	sand.u32 $0x4000, s31;
	s1 =	sadd.s32 s1, s30  }
0x38: {  	s0 =	sor.u32 s3, s0;
	s1 =	sshll.u32 s1, $0x11  }
0x39: {  	s0 =	sor.u32 s1, s0  }
0x3a: {  	s0 =	sadd.s32 $0x8F2B, s0  }
0x3b: {  	[sflag:s0] =	ssyncadd.remote.s32 $0x1  }
0x3c: {  	_ =	sfence.sel $0xFFFF  }
0x3d: {  	[dreg:$0x0] =	wrdreg $0xFFFFFFFF;
	(pc) =	sbr.abs _section_cstart, $3  }
0x3e: {  	[dreg:$0x1] =	wrdreg $0xFFFFFFFF  }
0x3f: {  	_ =	task.clear_ibuf [dreg:s7], $0x2FFFF;
	_ =	strace $0x9FFFFFFF  }
0x40: {  	(tm) =	ssettm $0x7FFFFFFF  }
0x41: {  	_ =	shalt  }
tec
execute0_lowered:
.L_overlay_start_1:
0x0: {  	(tag) =	ssettag $0x1  }
0x1: {  	s0 =	stileid.u32  }
0x2: {  	s1 =	srdreg.scid;
	s7 =	rddreg [dreg:$0x0];
	s31 =	simm.s32 $0x2  }
0x3: {  	s18 =	simm.s32 $0x0;
	s10 =	simm.s32 $0x0;
	s20 =	simm.s32 $0x0  }
0x4: {  	s19 =	simm.s32 $0x0;
	s11 =	simm.s32 $0x0;
	s12 =	simm.s32 $0x0  }
0x5: {  	s13 =	simm.s32 $0x0;
	s15 =	simm.s32 $0x0;
	s17 =	simm.s32 $0x0  }
0x6: {  	s2 =	sshll.u32 s0, $0x2;
	s3 =	sshll.u32 s0, $0x4;
	s4 =	sshll.u32 s1, $0x8  }
0x7: {  	s7 =	sadd.s32 $0x1E0200, s7;
	s1 =	sand.u32 $0x1C, s2;
	s29 =	sor.u32 s3, s4  }
0x8: {  	s3 =	rddreg [dreg:$0x1];
	s2 =	sand.u32 $0x180, s29;
	s30 =	ssub.s32 $0x20, s1  }
0x9: {  	s5 =	sand.u32 $0x1C, s30;
	s6 =	ssub.s32 $0x4000, s2;
	s9 =	sshrl.u32 s30, $0x5  }
0xa: {  	p0 =	sne.s32 s5, $0x0;
	s5 =	simm.s32 $0x1;
	s8 =	sand.u32 $0x180, s6  }
0xb: {  	s5 =	simm.s32 @!p0 $0x0;
	p0 =	sne.s32 s8, $0x0;
	s8 =	simm.s32 $0x1  }
.Ltmp0:
0xc: {  	s6 =	sshrl.u32 s6, $0x9;
	s8 =	simm.s32 @!p0 $0x0;
	(pc) =	sbr.rel .LBB1_1-.Ltmp0, $4  }
0xd: {  	s4 =	rddreg [dreg:$0x2];
	s9 =	sadd.s32 s5, s9;
	s6 =	sadd.s32 s8, s6  }
0xe: {  	_ =	strace $0x80000047;
	s5 =	simm.s32 $0x1;
	s6 =	smul.u32 s9, s6  }
0xf: {  	s16 =	smov.u32 s1;
	s14 =	smov.u32 s2;
	[sflag:s5] =	ssyncpa.u1 $0x0  }
0x10: {  	[sflag:s31] =	ssyncpa.u1 $0x0;
	s9 =	simm.s32 $0x80000;
	s8 =	sadd.s32 $0x1, s6  }
.LBB1_7:
0x11: {  	p0 =	slt.u32 s17, $0x2  }
0x12: {  	s21 =	smov.u32 s20;
	p1 =	sgt.s32 @!p0 s20, $0xFFFFFFFE  }
0x13: {  	s22 =	sshra.s32 @!p0 s20, $0x1F;
	s23 =	sshra.s32 @!p0 s19, $0x1F;
	p1 =	por !p1, p0  }
0x14: {  	s20 =	sand.u32 @!p0 s22, s20;
	s21 =	simm.s32 @p1 $0xFFFFFFFE;
	p1 =	sgt.s32 @!p0 s19, $0x1C  }
0x15: {  	s22 =	smov.u32 s19;
	p1 =	por !p1, p0;
	s20 =	ssub.s32 @!p0 s21, s20  }
0x16: {  	s19 =	sand.u32 @!p0 s23, s19;
	s22 =	simm.s32 @p1 $0x1C;
	s21 =	sadd.s32 @!p0 $0x2, s20  }
0x17: {  	p1 =	sgt.s32 @!p0 s18, $0x3F80;
	s19 =	ssub.s32 @!p0 s22, s19;
	p2 =	sgt.s32 @!p0 s21, $0x1F  }
0x18: {  	p1 =	por !p1, p0;
	s22 =	smov.u32 s18;
	s21 =	sadd.s32 @!p0 $0xFFFFFFE4, s19  }
0x19: {  	s22 =	simm.s32 @p1 $0x3F80;
	p1 =	sgt.s32 @!p0 s21, $0x3;
	s21 =	sshra.s32 @!p0 s18, $0x1F  }
0x1a: {  	s20 =	ssub.s32 @!p0 $0x1E, s20;
	p2 =	por !p2, p0;
	s18 =	sand.u32 @!p0 s21, s18  }
0x1b: {  	s19 =	ssub.s32 @!p0 $0x20, s19;
	p1 =	por !p1, p0;
	s18 =	ssub.s32 @!p0 s22, s18  }
0x1c: {  	s20 =	simm.s32 @!p2 $0x0;
	s19 =	simm.s32 @!p1 $0x0;
	s21 =	sadd.s32 @!p0 $0xFFFFC080, s18  }
0x1d: {  	s22 =	smov.u32 s15;
	s19 =	smul.u32 @!p0 s19, s20;
	p1 =	sgt.s32 @!p0 s21, $0x7F  }
0x1e: {  	s18 =	ssub.s32 @!p0 $0x4000, s18;
	s21 =	sadd.s32 $0x200, s14;
	p1 =	por !p1, p0  }
0x1f: {  	s20 =	sadd.s32 $0x20, s15;
	s18 =	simm.s32 @!p1 $0x0;
	p1 =	sgt.s32 s21, $0x3FFF  }
0x20: {  	s23 =	smov.u32 s16;
	s22 =	smov.u32 @p1 s20  }
0x21: {  	s18 =	smul.u32 @!p0 s18, s19;
	s19 =	sadd.s32 $0x20, s16;
	p2 =	sgt.s32 s22, $0x1D  }
0x22: {  	s10 =	sadd.s32 $0x4000, s10;
	s24 =	simm.s32 @!p0 $0x2;
	s23 =	smov.u32 @p2 s19  }
0x23: {  	s21 =	smov.u32 @p1 s2;
	s20 =	smov.u32 s12;
	p1 =	sgt.s32 s23, $0x1F  }
0x24: {  	s12 =	smov.u32 s15;
	s23 =	smov.u32 @p1 s1;
	p1 =	sne.s32 s17, s8  }
.Ltmp1:
0x25: {  	s18 =	sand.u32 @!p0 $0x3FFFFFFF, s18;
	s22 =	simm.s32 @p2 $0x0;
	(pc) =	sbr.rel @!p1 .LBB1_8-.Ltmp1, $4  }
0x26: {  	s19 =	smov.u32 s13;
	s13 =	smov.u32 s16;
	_ =	swait.ge @!p0 [sflag:s24], s18  }
0x27: {  	s25 =	ssub.s32 @!p0 $0x0, s18;
	s18 =	smov.u32 s11;
	s11 =	smov.u32 s14  }
0x28: {  	s14 =	smov.u32 s21;
	s15 =	smov.u32 s22;
	[sflag:s24] =	ssyncset.done @!p0 $0x0  }
0x29: {  	s17 =	sadd.s32 $0x1, s17;
	[sflag:s24] =	ssyncadd.s32 @!p0 s25;
	s16 =	smov.u32 s23  }
.LBB1_1:
0x2a: {  	p0 =	sge.u32 s17, s6;
	s31 =	sadd.s32 $0xFFFFFFFF, s17  }
0x2b: {  	s21 =	sxor.u32 @!p0 $0xFFFFFFFF, s17;
	s22 =	sand.u32 @!p0 $0x78, s14;
	s23 =	sshll.u32 @!p0 s15, $0xE  }
0x2c: {  	s24 =	sshll.u32 @!p0 s15, $0x7;
	s25 =	sshll.u32 @!p0 s14, $0x3;
	s21 =	sshll.u32 @!p0 s21, $0xE  }
0x2d: {  	s23 =	sand.u32 @!p0 $0x60000, s23;
	s24 =	sand.u32 @!p0 $0x380, s24;
	s21 =	sand.u32 @!p0 $0x4000, s21  }
0x2e: {  	s23 =	sadd.s32 @!p0 s23, s25;
	s25 =	sand.u32 @!p0 $0x3C00, s25;
	s22 =	sor.u32 @!p0 s24, s22  }
0x2f: {  	s24 =	sshll.u32 @!p0 s16, $0x10;
	s22 =	sor.u32 @!p0 s25, s22;
	s23 =	sshrl.u32 @!p0 s23, $0x3  }
0x30: {  	s24 =	sadd.s32 @!p0 s7, s24;
	s25 =	sand.u32 @!p0 $0x7, s14;
	s23 =	sand.u32 @!p0 $0xF800, s23  }
0x31: {  	s22 =	sshrl.u32 @!p0 s22, $0x3;
	s23 =	sadd.s32 @!p0 s23, s24;
	s24 =	sshll.u32 @!p0 s25, $0x12  }
0x32: {  	s22 =	sadd.s32 @!p0 s22, s23;
	s23 =	sor.u32 @!p0 $0x400, s24;
	s24 =	simm.s32 @!p0 $0x20000  }
0x33: {  	[tilespmem:s21], [sflag:$0x1] =	stream.strided.gather @!p0 [hbm4b:s22+s23], $0x4000, s24, s23, $0x38;
	[tilespmem:$0x10000] =	vst v63  }
0x34: {  	p0 =	sge.u32 s31, s6  }
.Ltmp2:
0x35: {  	_ = 	snop;
	(pc) =	sbr.rel @p0 .LBB1_7-.Ltmp2, $1  }
0x36: {  	_ =	sdelay $0x3  }
0x37: {  	s21 =	sand.u32 $0x4000, s10  }
0x38: {  	_ =	swait.ge [sflag:s5], $0x4000;
	s24 =	sshll.u32 s17, $0xE;
	s22 =	sor.u32 $0x8040, s21  }
0x39: {  	s23 =	sor.u32 $0x40, s21;
	[sflag:s5] =	ssyncset.done $0x0;
	s31 =	sand.u32 $0x4000, s24  }
0x3a: {  	s24 =	simm.s32 $0x0;
	[sflag:s5] =	ssyncadd.s32 $0xFFFFC000;
	s21 =	sor.u32 $0x8000, s31  }
.LBB1_3:
0x3b: {  	v0 =	vmov s23;
	_ =	sdelay $0x3  }
0x3c: {  	s26 =	simm.s32 $0x0  }
0x3d: {  	v6 =	vld.idx.msk [tilespmem:v0+s26+$0x30 ss:$0x1], $0xffff  }
0x3e: {  	v7 =	vld.idx.msk [tilespmem:v0+s26+$0xFFFFFFC0 ss:$0x1], $0xffff  }
0x3f: {  	v5 =	vld.idx.msk [tilespmem:v0+s26+$0xFFFFFFD0 ss:$0x1], $0xffff  }
0x40: {  	v4 =	vld.idx.msk [tilespmem:v0+s26+$0xFFFFFFE0 ss:$0x1], $0xffff  }
0x41: {  	v3 =	vld.idx.msk [tilespmem:v0+s26+$0xFFFFFFF0 ss:$0x1], $0xffff  }
0x42: {  	v1 =	vld.idx.msk [tilespmem:v0+s26+$0x0 ss:$0x1], $0xffff  }
0x43: {  	v2 =	vld.idx.msk [tilespmem:v0+s26+$0x10 ss:$0x1], $0xffff;
	[tilespmem:s22+$0x30] =	vst v6  }
0x44: {  	s25 =	simm.s32 $0x80;
	s27 =	simm.s32 $0x400;
	[tilespmem:s22+$0xFFFFFFC0] =	vst v7;
	v6 =	vld.idx.msk [tilespmem:v0+s26+$0x20 ss:$0x1], $0xffff;
	s26 =	smov.u32 s22  }
.LBB1_4:
0x45: {  	p0 =	sne.s32 s27, $0x3E00;
	v7 =	vld.idx.msk [tilespmem:v0+s25+$0x30 ss:$0x1], $0xffff;
	[tilespmem:s26+$0xFFFFFFD0] =	vst v5  }
0x46: {  	v8 =	vld.idx.msk [tilespmem:v0+s25+$0xFFFFFFC0 ss:$0x1], $0xffff;
	[tilespmem:s26+$0xFFFFFFE0] =	vst v4  }
0x47: {  	v5 =	vld.idx.msk [tilespmem:v0+s25+$0xFFFFFFD0 ss:$0x1], $0xffff;
	[tilespmem:s26+$0xFFFFFFF0] =	vst v3  }
.Ltmp3:
0x48: {  	v4 =	vld.idx.msk [tilespmem:v0+s25+$0xFFFFFFE0 ss:$0x1], $0xffff;
	[tilespmem:s26+$0x0] =	vst v1;
	(pc) =	sbr.rel @p0 .LBB1_4-.Ltmp3, $4  }
0x49: {  	v3 =	vld.idx.msk [tilespmem:v0+s25+$0xFFFFFFF0 ss:$0x1], $0xffff;
	[tilespmem:s26+$0x10] =	vst v2  }
0x4a: {  	v1 =	vld.idx.msk [tilespmem:v0+s25+$0x0 ss:$0x1], $0xffff;
	[tilespmem:s26+$0x20] =	vst v6;
	s26 =	sadd.s32 $0x200, s26  }
0x4b: {  	v2 =	vld.idx.msk [tilespmem:v0+s25+$0x10 ss:$0x1], $0xffff;
	[tilespmem:s26+$0x30] =	vst v7  }
0x4c: {  	[tilespmem:s26+$0xFFFFFFC0] =	vst v8;
	v6 =	vld.idx.msk [tilespmem:v0+s25+$0x20 ss:$0x1], $0xffff;
	s25 =	sshra.s32 s27, $0x2;
	s27 =	sadd.s32 $0x200, s27  }
0x4d: {  	_ =	sdelay $0x2  }
0x4e: {  	[tilespmem:s26+$0xFFFFFFD0] =	vst v5  }
0x4f: {  	v56 =	vld.idx.msk [tilespmem:v0+s25+$0x30 ss:$0x1], $0xffff;
	[tilespmem:s26+$0xFFFFFFE0] =	vst v4  }
0x50: {  	v57 =	vld.idx.msk [tilespmem:v0+s25+$0xFFFFFFC0 ss:$0x1], $0xffff;
	[tilespmem:s26+$0xFFFFFFF0] =	vst v3  }
0x51: {  	v58 =	vld.idx.msk [tilespmem:v0+s25+$0xFFFFFFD0 ss:$0x1], $0xffff;
	[tilespmem:s26+$0x0] =	vst v1  }
0x52: {  	v59 =	vld.idx.msk [tilespmem:v0+s25+$0xFFFFFFE0 ss:$0x1], $0xffff;
	[tilespmem:s26+$0x10] =	vst v2  }
0x53: {  	v60 =	vld.idx.msk [tilespmem:v0+s25+$0xFFFFFFF0 ss:$0x1], $0xffff;
	s31 =	sadd.s32 $0x200, s26;
	[tilespmem:s26+$0x20] =	vst v6  }
0x54: {  	v61 =	vld.idx.msk [tilespmem:v0+s25+$0x0 ss:$0x1], $0xffff;
	[tilespmem:s31+$0x30] =	vst v56  }
0x55: {  	v62 =	vld.idx.msk [tilespmem:v0+s25+$0x10 ss:$0x1], $0xffff;
	s24 =	sadd.s32 $0x1, s24;
	[tilespmem:s31+$0xFFFFFFC0] =	vst v57  }
0x56: {  	v63 =	vld.idx.msk [tilespmem:v0+s25+$0x20 ss:$0x1], $0xffff;
	p0 =	sne.s32 s24, $0x4;
	[tilespmem:s31+$0xFFFFFFD0] =	vst v58  }
.Ltmp4:
0x57: {  	[tilespmem:s31+$0xFFFFFFE0] =	vst v59;
	(pc) =	sbr.rel @p0 .LBB1_3-.Ltmp4, $4  }
0x58: {  	[tilespmem:s31+$0xFFFFFFF0] =	vst v60  }
0x59: {  	[tilespmem:s31+$0x0] =	vst v61  }
0x5a: {  	[tilespmem:s31+$0x10] =	vst v62  }
0x5b: {  	s22 =	sadd.s32 $0x80, s22;
	s23 =	sadd.s32 $0x1000, s23;
	[tilespmem:s31+$0x20] =	vst v63  }
0x5c: {  	s22 =	sand.u32 $0x78, s11;
	s23 =	sshll.u32 s13, $0x7;
	p0 =	sgt.s32 s12, $0xFFFFFFFE  }
0x5d: {  	s24 =	smov.u32 s12;
	s25 =	sshra.s32 s12, $0x1F;
	s27 =	sshra.s32 s13, $0x1F  }
0x5e: {  	s28 =	sshra.s32 s11, $0x1F;
	s29 =	sshll.u32 s11, $0x3;
	s23 =	sand.u32 $0x380, s23  }
0x5f: {  	s24 =	simm.s32 @!p0 $0xFFFFFFFE;
	s26 =	sand.u32 s25, s12;
	p0 =	sgt.s32 s13, $0x1C  }
0x60: {  	s25 =	sand.u32 s27, s13;
	s27 =	sshll.u32 s13, $0xE;
	s31 =	sand.u32 $0x3C00, s29  }
0x61: {  	s22 =	sor.u32 s23, s22;
	s23 =	ssub.s32 s24, s26;
	s24 =	smov.u32 s13  }
0x62: {  	s27 =	sand.u32 $0x60000, s27;
	s26 =	sadd.s32 $0x2, s23;
	s24 =	simm.s32 @!p0 $0x1C  }
0x63: {  	s23 =	ssub.s32 $0x1E, s23;
	s22 =	sor.u32 s31, s22;
	p0 =	sgt.s32 s26, $0x1F  }
0x64: {  	s24 =	ssub.s32 s24, s25;
	s26 =	smov.u32 s11;
	s23 =	simm.s32 @p0 $0x0  }
0x65: {  	s25 =	sadd.s32 $0xFFFFFFE4, s24;
	p0 =	sgt.s32 s11, $0x3F80;
	s24 =	ssub.s32 $0x20, s24  }
0x66: {  	s26 =	simm.s32 @!p0 $0x3F80;
	p0 =	sgt.s32 s25, $0x3;
	s25 =	sand.u32 s28, s11  }
0x67: {  	s24 =	simm.s32 @p0 $0x0;
	s25 =	ssub.s32 s26, s25;
	s26 =	sadd.s32 s27, s29  }
0x68: {  	s27 =	sshll.u32 s12, $0x10;
	s29 =	sand.u32 $0x7, s11;
	s30 =	sadd.s32 $0xFFFFC080, s25  }
0x69: {  	s23 =	smul.u32 s24, s23;
	s25 =	ssub.s32 $0x4000, s25;
	p0 =	sgt.s32 s30, $0x7F  }
.Ltmp5:
0x6a: {  	s28 =	sshrl.u32 s26, $0x3;
	s25 =	simm.s32 @p0 $0x0;
	(pc) =	sbr.rel .LBB1_7-.Ltmp5, $4  }
0x6b: {  	s24 =	sadd.s32 s3, s27;
	s23 =	smul.u32 s25, s23;
	s25 =	sand.u32 $0xF800, s28  }
0x6c: {  	s22 =	sshrl.u32 s22, $0x3;
	s30 =	sshll.u32 s29, $0x12;
	s24 =	sadd.s32 s25, s24  }
0x6d: {  	s31 =	sor.u32 $0x200, s30;
	s23 =	sand.u32 $0x3FFFFFFF, s23;
	s22 =	sadd.s32 s22, s24  }
0x6e: {  	[hbm4b:s22+s31] =	stream.strided.scatter [tilespmem:s21], [sflag:$0x2], s23, s9, s31, $0x38;
	[tilespmem:$0x10000] =	vst v63  }
.LBB1_8:
0x6f: {  	_ =	sfence.sel $0x180000  }
0x70: {  	s1 =	simm.s32 $0x1;
	[bflag:$0x0] =	sbarrier.arrive $0xFFFF  }
0x71: {  	s31 =	simm.s32 $0x2;
	[sflag:s1] =	ssyncpa.u1 $0x1  }
0x72: {  	[sflag:s31] =	ssyncpa.u1 $0x1  }
0x73: {  	p0 =	sne.s32 s0, $0x0;
	_ =	strace $0x90000047  }
0x74: {  	s0 =	sadd.s32 @!p0 $0x100000, s4;
	[bflag:$0x2] =	sbarrier.arrive $0xFFFF  }
0x75: {  	[sflag:s0] =	ssyncadd.tile.s32 @!p0 $0x1;
	_ =	shalt  }
.Lfunc_end1:
_tile_overlayer_lowered:
.L_overlay_start_2:
0x76: {  	(tag) =	ssettag $0x2  }
0x77: {  	s0 =	rddreg [dreg:$0x0];
	s2 =	stileid.u32  }
0x78: {  	s1 =	rddreg [dreg:$0x1];
	p0 =	sne.s32 s2, $0x0  }
0x79: {  	s3 =	rddreg [dreg:$0x2];
	[bflag:$0x3] =	sbarrier.arrive $0xFFFF;
	s2 =	simm.s32 @!p0 $0x1C01  }
0x7a: {  	[timem:s3], [sflag:s2] =	dma.local @!p0 [hbm:s0], s1  }
0x7b: {  	s0 =	simm.s32 @!p0 $0x1  }
0x7c: {  	_ =	swait.ge @!p0 [sflag:s0], s1  }
0x7d: {  	s1 =	ssub.s32 @!p0 $0x0, s1;
	[sflag:s0] =	ssyncset.done @!p0 $0x0  }
0x7e: {  	[sflag:s0] =	ssyncadd.s32 @!p0 s1  }
0x7f: {  	[bflag:$0x3] =	sbarrier.arrive $0xFFFF  }
0x80: {  	_ =	shalt  }

</sc_bundles>
